<compile_context>
chip_gen: v7x
topology: tpu7x:2x2x1
jax: 0.10.2.dev20260603
libtpu: 0.0.44.dev20260713+nightly
codegen_flags: <defaults>
</compile_context>

<pallas_src>
import functools

import jax
import jax.numpy as jnp
from jax import lax
from jax.experimental import pallas as pl
from jax.experimental.pallas import tpu as pltpu
from jax.experimental.pallas import tpu_sc as plsc

N_SPANS = 8192
D = 128
DW = D
K = 32
P = N_SPANS * K
HID = 150
HIDP = 256
BINS_VALS = (1, 2, 3, 4, 8, 16, 32, 64)

S = 1
P_S = P // S

NC, NS = 2, 16
NW = NC * NS
ROWS_TOTAL = 2 * P_S
ROWS_PER_W = ROWS_TOTAL // NW
CHUNK = 128
NCHUNKS = ROWS_PER_W // CHUNK
KD = 4
NG = NCHUNKS // KD

T = 4096
NT = P_S // T


def _sc_gather_body(table_hbm, ids_hbm, out_hbm, idx_v, rows_v, gsem, wsem):
    wid = lax.axis_index("s") * NC + lax.axis_index("c")
    base = wid * ROWS_PER_W
    pltpu.sync_copy(ids_hbm.at[wid], idx_v)

    def group(g, _):
        descs = []
        for b in range(KD):
            d = pltpu.async_copy(
                table_hbm.at[idx_v.at[g * KD + b]], rows_v.at[b], gsem)
            descs.append(d)
        wdescs = []
        for b in range(KD):
            descs[b].wait()
            wd = pltpu.async_copy(
                rows_v.at[b],
                out_hbm.at[pl.ds(base + (g * KD + b) * CHUNK, CHUNK)],
                wsem)
            wdescs.append(wd)
        for b in range(KD):
            wdescs[b].wait()
        return 0

    lax.fori_loop(0, NG, group, 0)


@functools.cache
def _build_sc_gather():
    return functools.partial(
        pl.kernel,
        out_type=jax.ShapeDtypeStruct((ROWS_TOTAL, DW), jnp.int32),
        mesh=plsc.VectorSubcoreMesh(
            core_axis_name="c", subcore_axis_name="s",
            num_cores=NC, num_subcores=NS),
        scratch_types=[
            pltpu.VMEM((NCHUNKS, CHUNK), jnp.int32),
            pltpu.VMEM((KD, CHUNK, DW), jnp.int32),
            pltpu.SemaphoreType.DMA,
            pltpu.SemaphoreType.DMA,
        ],
        compiler_params=pltpu.CompilerParams(use_tc_tiling_on_sc=False),
    )(_sc_gather_body)


def _sc_gather(table_packed, ids3):
    return _build_sc_gather()(table_packed, ids3)


def _tc_mlp_body(gi_ref, gj_ref, dist_ref, spk_ref, bins_ref,
                 w1_ref, w2_ref, w3_ref, out_ref):
    bf16 = jnp.bfloat16
    gi = lax.bitcast_convert_type(gi_ref[...], jnp.float32).astype(bf16)
    gj = lax.bitcast_convert_type(gj_ref[...], jnp.float32).astype(bf16)
    gij = gi * gj
    col = lax.broadcasted_iota(jnp.int32, (T, 16), 1)
    distb = jnp.broadcast_to(dist_ref[...], (T, 16))
    spkb = jnp.broadcast_to(spk_ref[...], (T, 16))
    binsb = jnp.broadcast_to(bins_ref[...], (T, 16))
    m = jnp.where(
        col < 8, (distb > binsb).astype(jnp.float32),
        jnp.where(col < 11, (spkb == (col - 8)).astype(jnp.float32),
                  jnp.where(col == 11, 1.0, 0.0))).astype(bf16)
    x = jnp.concatenate([gi, gj, gij, m], axis=1)
    acc = jnp.dot(x, w1_ref[...], preferred_element_type=jnp.float32)
    h = jnp.maximum(acc, 0.0).astype(bf16)
    h2 = jnp.dot(h, w2_ref[...], preferred_element_type=jnp.float32)
    h2 = jnp.maximum(h2, 0.0).astype(bf16)
    r = jnp.dot(h2, w3_ref[...], preferred_element_type=jnp.float32)
    out_ref[...] = r[:, :2]


def _tc_mlp(gathered, dist2, spk2, binspad, w1f, w2p, w3p):
    full = lambda shape: pl.BlockSpec(shape, lambda i: (0, 0))
    return pl.pallas_call(
        _tc_mlp_body,
        grid=(NT,),
        in_specs=[
            pl.BlockSpec((T, DW), lambda i: (i, 0)),
            pl.BlockSpec((T, DW), lambda i: (i + NT, 0)),
            pl.BlockSpec((T, 1), lambda i: (i, 0)),
            pl.BlockSpec((T, 1), lambda i: (i, 0)),
            full((1, 16)),
            full((3 * D + 16, HIDP)),
            full((HIDP, HIDP)),
            full((HIDP, 128)),
        ],
        out_specs=pl.BlockSpec((T, 2), lambda i: (i, 0)),
        out_shape=jax.ShapeDtypeStruct((P_S, 2), jnp.float32),
        compiler_params=pltpu.CompilerParams(
            dimension_semantics=("parallel",)),
    )(gathered, gathered, dist2, spk2, binspad, w1f, w2p, w3p)


def kernel(span_features, mention_ids, antecedent_ids, distances, speakers,
           dist_table, spk_table, W1, b1, W2, b2, W3, b3, epsilon):
    f32 = jnp.float32
    bf16 = jnp.bfloat16
    w1d = W1[3 * D:3 * D + 20]
    w1sp = W1[3 * D + 20:3 * D + 40]
    deltas = (dist_table[1:9] - dist_table[0:8]) @ w1d
    spkrows = spk_table @ w1sp
    const_row = dist_table[0] @ w1d + b1
    w1f = jnp.zeros((3 * D + 16, HIDP), f32)
    w1f = w1f.at[0:3 * D, :HID].set(W1[0:3 * D])
    w1f = w1f.at[3 * D:3 * D + 8, :HID].set(deltas)
    w1f = w1f.at[3 * D + 8:3 * D + 11, :HID].set(spkrows)
    w1f = w1f.at[3 * D + 11, :HID].set(const_row)
    w1f = w1f.at[3 * D + 11, HIDP - 1].set(1.0)
    w1f = w1f.astype(bf16)
    w2p = jnp.zeros((HIDP, HIDP), f32).at[:HID, :HID].set(W2)
    w2p = w2p.at[HIDP - 1, :HID].set(b2)
    w2p = w2p.at[HIDP - 1, HIDP - 1].set(1.0)
    w2p = w2p.astype(bf16)
    w3p = jnp.zeros((HIDP, 128), f32).at[:HID, :2].set(W3)
    w3p = w3p.at[HIDP - 1, :2].set(b3)
    w3p = w3p.astype(bf16)
    binspad = jnp.full((1, 16), 2**30, jnp.int32).at[0, :8].set(
        jnp.array(BINS_VALS, jnp.int32))

    sfp = lax.bitcast_convert_type(span_features, jnp.int32)

    mids = mention_ids.astype(jnp.int32).reshape(S, P_S)
    aids = antecedent_ids.astype(jnp.int32).reshape(S, P_S)
    dist2 = distances.astype(jnp.int32).reshape(S, P_S, 1)
    spk2 = speakers.astype(jnp.int32).reshape(S, P_S, 1)
    gathers = []
    for s in range(S):
        ids3 = jnp.concatenate([mids[s], aids[s]]).reshape(
            NW, NCHUNKS, CHUNK)
        gathers.append(_sc_gather(sfp, ids3))
    outs = [
        _tc_mlp(gathers[s], dist2[s], spk2[s], binspad, w1f, w2p, w3p)
        for s in range(S)
    ]
    scores = jnp.concatenate(outs)

    scores = scores.reshape(N_SPANS, K, 2)
    eps = jnp.broadcast_to(epsilon.reshape(1, 1, 2), (N_SPANS, 1, 2))
    return jnp.concatenate([scores, eps], axis=1)

# --- scband reference (transcript-rebuilt; emitter-appended) ---
"""Pipeline reference for scband-pairwise-score-45835890983235 (READ-ONLY COPY).

The authoritative reference and input builder live on the scoring server;
editing this copy changes nothing except your own understanding.
"""

import jax, jax.numpy as jnp
import numpy as np

N_SPANS = 8192
D = 128
K = 32
P = N_SPANS * K
DIST_DIM = 20
SPK_DIM = 20
GIJ = 3 * D + DIST_DIM + SPK_DIM  # 424
HID = 150
BINS = jnp.array([1, 2, 3, 4, 8, 16, 32, 64], dtype=jnp.int64)


def setup_inputs(seed: int = 0) -> dict:
    key = jax.random.key(seed)
    ks = jax.random.split(key, 14)
    inp = {}
    inp["span_features"] = jax.random.normal(ks[0], (N_SPANS, D), dtype=jnp.float32)
    inp["mention_ids"] = jax.random.randint(ks[1], (P,), 0, N_SPANS)
    inp["antecedent_ids"] = jax.random.randint(ks[2], (P,), 0, N_SPANS)
    inp["distances"] = jax.random.randint(ks[3], (P,), 0, 128)
    inp["speakers"] = jax.random.randint(ks[4], (P,), 0, 3)
    # learned parameters
    inp["dist_table"] = jax.random.normal(ks[5], (len(BINS) + 1, DIST_DIM), dtype=jnp.float32) * 0.02
    # speaker embedding with padding_idx=0 -> row 0 is zeros
    spk = jax.random.normal(ks[6], (3, SPK_DIM), dtype=jnp.float32) * 0.02
    inp["spk_table"] = spk.at[0].set(0.0)
    inp["W1"] = jax.random.normal(ks[7], (GIJ, HID), dtype=jnp.float32) * 0.02
    inp["b1"] = jnp.zeros((HID,), dtype=jnp.float32)
    inp["W2"] = jax.random.normal(ks[8], (HID, HID), dtype=jnp.float32) * 0.02
    inp["b2"] = jnp.zeros((HID,), dtype=jnp.float32)
    inp["W3"] = jax.random.normal(ks[9], (HID, 2), dtype=jnp.float32) * 0.02
    inp["b3"] = jnp.zeros((2,), dtype=jnp.float32)
    inp["epsilon"] = jnp.zeros((1, 2), dtype=jnp.float32)
    return inp


def reference(span_features, mention_ids, antecedent_ids, distances, speakers,
              dist_table, spk_table, W1, b1, W2, b2, W3, b3, epsilon):
    # Distance module: bucketize lengths into bins, embed (dropout = identity at inference)
    lengths = distances.reshape(distances.shape[0], -1)
    distance_bins = jnp.sum(lengths > BINS, axis=-1)
    dist_emb = jnp.take(dist_table, distance_bins, axis=0)
    # Speaker module: embedding with padding_idx=0
    spk_emb = jnp.take(spk_table, speakers, axis=0)
    other_feature = jnp.concatenate([dist_emb, spk_emb], axis=1)
    # gather span features for mention / antecedent
    gi = jnp.take(span_features, mention_ids, axis=0)
    gj = jnp.take(span_features, antecedent_ids, axis=0)
    pairs_feature = jnp.concatenate([gi, gj, gi * gj, other_feature], axis=1)
    # Score MLP (dropout = identity at inference)
    h = jax.nn.relu(pairs_feature @ W1 + b1)
    h = jax.nn.relu(h @ W2 + b2)
    coref_scores = h @ W3 + b3  # [P, 2]
    # split scores per span (constant K antecedents per span), append epsilon row, pad_and_stack
    scores = coref_scores.reshape(N_SPANS, K, 2)
    eps = jnp.broadcast_to(epsilon.reshape(1, 1, 2), (N_SPANS, 1, 2))
    probs = jnp.concatenate([scores, eps], axis=1)  # [N_SPANS, K+1, 2]
    return probs

if __name__ == "__main__":
    import jax
    _d = setup_inputs()
    print(jax.jit(kernel)(*tuple(_d.values())))

</pallas_src>

<mosaic_0001>
#map = affine_map<(d0, d1) -> (0, 0)>
#map1 = affine_map<(d0, d1) -> (0, 0, 0)>
module attributes {stable_mosaic.version = 14 : i64} {
  func.func @_sc_gather_body(%arg0: i32, %arg1: i32, %arg2: memref<8192x128xi32, #tpu.memory_space<hbm>>, %arg3: memref<32x128x128xi32, #tpu.memory_space<hbm>>, %arg4: memref<524288x128xi32, #tpu.memory_space<hbm>>, %arg5: memref<128x128xi32, #tpu.memory_space<vmem>>, %arg6: memref<4x128x128xi32, #tpu.memory_space<vmem>>, %arg7: memref<!tpu.dma_semaphore, #tpu.memory_space<semaphore_mem>>, %arg8: memref<!tpu.dma_semaphore, #tpu.memory_space<semaphore_mem>>) attributes {dimension_semantics = [#tpu.dimension_semantics<core_parallel>, #tpu.dimension_semantics<subcore_parallel>], iteration_bounds = array<i64: 2, 16>, scalar_prefetch = 0 : i64, scratch_operands = 4 : i64, tpu.core_type = #tpu.core_type<sc_vector_subcore>, window_params = [{transform_indices = #map}, {transform_indices = #map1}, {transform_indices = #map}]} {
    %mul3A = arith.constant 2 : i32
    %mul3A_0 = arith.muli %arg1, %mul3A : i32
    %add3A = arith.addi %mul3A_0, %arg0 : i32
    %mul3A_1 = arith.constant 16384 : i32
    %mul3A_2 = arith.muli %add3A, %mul3A_1 : i32
    "tpu.region"() ({
      %run_scoped3A = tpu.sem_alloc : memref<!tpu.dma_semaphore, #tpu.memory_space<semaphore_mem>>
      %dma_start3A = arith.constant 0 : i32
      %dma_start3A_9 = arith.constant 0 : i32
      %dma_start3A_10 = tpu.memref_slice %arg3[%add3A, %dma_start3A, %dma_start3A_9] : memref<32x128x128xi32, #tpu.memory_space<hbm>> -> memref<1x128x128xi32, #tpu.memory_space<hbm>>
      %dma_start3A_11 = tpu.memref_squeeze %dma_start3A_10 : memref<1x128x128xi32, #tpu.memory_space<hbm>> -> memref<128x128xi32, #tpu.memory_space<hbm>>
      %dma_start3A_12 = arith.constant 0 : i32
      %dma_start3A_13 = arith.constant 0 : i32
      %dma_start3A_14 = tpu.memref_slice %arg3[%add3A, %dma_start3A_12, %dma_start3A_13] : memref<32x128x128xi32, #tpu.memory_space<hbm>> -> memref<1x128x128xi32, #tpu.memory_space<hbm>>
      %dma_start3A_15 = tpu.memref_squeeze %dma_start3A_14 : memref<1x128x128xi32, #tpu.memory_space<hbm>> -> memref<128x128xi32, #tpu.memory_space<hbm>>
      tpu.enqueue_dma source(%dma_start3A_15 : memref<128x128xi32, #tpu.memory_space<hbm>>) target(%arg5 : memref<128x128xi32, #tpu.memory_space<vmem>>) target_semaphore(%run_scoped3A : memref<!tpu.dma_semaphore, #tpu.memory_space<semaphore_mem>>)
      %dma_wait3A = arith.constant 0 : i32
      %dma_wait3A_16 = arith.constant 0 : i32
      %dma_wait3A_17 = tpu.memref_slice %arg3[%add3A, %dma_wait3A, %dma_wait3A_16] : memref<32x128x128xi32, #tpu.memory_space<hbm>> -> memref<1x128x128xi32, #tpu.memory_space<hbm>>
      %dma_wait3A_18 = tpu.memref_squeeze %dma_wait3A_17 : memref<1x128x128xi32, #tpu.memory_space<hbm>> -> memref<128x128xi32, #tpu.memory_space<hbm>>
      %dma_wait3A_19 = arith.constant 0 : i32
      %dma_wait3A_20 = arith.constant 0 : i32
      %dma_wait3A_21 = tpu.memref_slice %arg3[%add3A, %dma_wait3A_19, %dma_wait3A_20] : memref<32x128x128xi32, #tpu.memory_space<hbm>> -> memref<1x128x128xi32, #tpu.memory_space<hbm>>
      %dma_wait3A_22 = tpu.memref_squeeze %dma_wait3A_21 : memref<1x128x128xi32, #tpu.memory_space<hbm>> -> memref<128x128xi32, #tpu.memory_space<hbm>>
      tpu.wait_dma2 semaphore(%run_scoped3A : memref<!tpu.dma_semaphore, #tpu.memory_space<semaphore_mem>>) src(%dma_wait3A_22 : memref<128x128xi32, #tpu.memory_space<hbm>>) dst(%arg5 : memref<128x128xi32, #tpu.memory_space<vmem>>)
      tpu.yield
    }) : () -> ()
    %scan3A = arith.constant 0 : i32
    %scan3A_3 = arith.constant 0 : i32
    %scan3A_4 = arith.constant 32 : i32
    %scan3A_5 = arith.addi %scan3A_3, %scan3A_4 : i32
    %scan3A_6 = arith.constant 1 : i32
    %scan3A_7 = scf.for %scan3A_9 = %scan3A_3 to %scan3A_5 step %scan3A_6 iter_args(%scan3A_10 = %scan3A) -> (i32)  : i32 {
      %mul3A_11 = arith.constant 4 : i32
      %mul3A_12 = arith.muli %scan3A_9, %mul3A_11 : i32
      %add3A_13 = arith.constant 0 : i32
      %add3A_14 = arith.addi %mul3A_12, %add3A_13 : i32
      %dma_start3A = arith.constant 0 : i32
      %dma_start3A_15 = arith.constant 0 : i32
      %dma_start3A_16 = arith.constant 0 : i32
      %dma_start3A_17 = tpu.memref_slice %arg6[%dma_start3A, %dma_start3A_15, %dma_start3A_16] : memref<4x128x128xi32, #tpu.memory_space<vmem>> -> memref<1x128x128xi32, #tpu.memory_space<vmem>>
      %dma_start3A_18 = tpu.memref_squeeze %dma_start3A_17 : memref<1x128x128xi32, #tpu.memory_space<vmem>> -> memref<128x128xi32, #tpu.memory_space<vmem>>
      %dma_start3A_19 = arith.constant 0 : i32
      %dma_start3A_20 = tpu.memref_slice %arg5[%add3A_14, %dma_start3A_19] : memref<128x128xi32, #tpu.memory_space<vmem>> -> memref<1x128xi32, #tpu.memory_space<vmem>>
      %dma_start3A_21 = tpu.memref_squeeze %dma_start3A_20 : memref<1x128xi32, #tpu.memory_space<vmem>> -> memref<128xi32, #tpu.memory_space<vmem>>
      %dma_start3A_22 = arith.constant 0 : i32
      %dma_start3A_23 = arith.constant 0 : i32
      %dma_start3A_24 = tpu.memref_slice %arg2[%dma_start3A_22, %dma_start3A_23] : memref<8192x128xi32, #tpu.memory_space<hbm>> -> memref<8192x128xi32, #tpu.memory_space<hbm>>
      tpu.enqueue_indirect_dma source(%dma_start3A_24 : memref<8192x128xi32, #tpu.memory_space<hbm>>) target(%dma_start3A_18 : memref<128x128xi32, #tpu.memory_space<vmem>>) offsets(%dma_start3A_21 : memref<128xi32, #tpu.memory_space<vmem>>) semaphore(%arg7 : memref<!tpu.dma_semaphore, #tpu.memory_space<semaphore_mem>>)
      %mul3A_25 = arith.constant 4 : i32
      %mul3A_26 = arith.muli %scan3A_9, %mul3A_25 : i32
      %add3A_27 = arith.constant 1 : i32
      %add3A_28 = arith.addi %mul3A_26, %add3A_27 : i32
      %dma_start3A_29 = arith.constant 1 : i32
      %dma_start3A_30 = arith.constant 0 : i32
      %dma_start3A_31 = arith.constant 0 : i32
      %dma_start3A_32 = tpu.memref_slice %arg6[%dma_start3A_29, %dma_start3A_30, %dma_start3A_31] : memref<4x128x128xi32, #tpu.memory_space<vmem>> -> memref<1x128x128xi32, #tpu.memory_space<vmem>>
      %dma_start3A_33 = tpu.memref_squeeze %dma_start3A_32 : memref<1x128x128xi32, #tpu.memory_space<vmem>> -> memref<128x128xi32, #tpu.memory_space<vmem>>
      %dma_start3A_34 = arith.constant 0 : i32
      %dma_start3A_35 = tpu.memref_slice %arg5[%add3A_28, %dma_start3A_34] : memref<128x128xi32, #tpu.memory_space<vmem>> -> memref<1x128xi32, #tpu.memory_space<vmem>>
      %dma_start3A_36 = tpu.memref_squeeze %dma_start3A_35 : memref<1x128xi32, #tpu.memory_space<vmem>> -> memref<128xi32, #tpu.memory_space<vmem>>
      %dma_start3A_37 = arith.constant 0 : i32
      %dma_start3A_38 = arith.constant 0 : i32
      %dma_start3A_39 = tpu.memref_slice %arg2[%dma_start3A_37, %dma_start3A_38] : memref<8192x128xi32, #tpu.memory_space<hbm>> -> memref<8192x128xi32, #tpu.memory_space<hbm>>
      tpu.enqueue_indirect_dma source(%dma_start3A_39 : memref<8192x128xi32, #tpu.memory_space<hbm>>) target(%dma_start3A_33 : memref<128x128xi32, #tpu.memory_space<vmem>>) offsets(%dma_start3A_36 : memref<128xi32, #tpu.memory_space<vmem>>) semaphore(%arg7 : memref<!tpu.dma_semaphore, #tpu.memory_space<semaphore_mem>>)
      %mul3A_40 = arith.constant 4 : i32
      %mul3A_41 = arith.muli %scan3A_9, %mul3A_40 : i32
      %add3A_42 = arith.constant 2 : i32
      %add3A_43 = arith.addi %mul3A_41, %add3A_42 : i32
      %dma_start3A_44 = arith.constant 2 : i32
      %dma_start3A_45 = arith.constant 0 : i32
      %dma_start3A_46 = arith.constant 0 : i32
      %dma_start3A_47 = tpu.memref_slice %arg6[%dma_start3A_44, %dma_start3A_45, %dma_start3A_46] : memref<4x128x128xi32, #tpu.memory_space<vmem>> -> memref<1x128x128xi32, #tpu.memory_space<vmem>>
      %dma_start3A_48 = tpu.memref_squeeze %dma_start3A_47 : memref<1x128x128xi32, #tpu.memory_space<vmem>> -> memref<128x128xi32, #tpu.memory_space<vmem>>
      %dma_start3A_49 = arith.constant 0 : i32
      %dma_start3A_50 = tpu.memref_slice %arg5[%add3A_43, %dma_start3A_49] : memref<128x128xi32, #tpu.memory_space<vmem>> -> memref<1x128xi32, #tpu.memory_space<vmem>>
      %dma_start3A_51 = tpu.memref_squeeze %dma_start3A_50 : memref<1x128xi32, #tpu.memory_space<vmem>> -> memref<128xi32, #tpu.memory_space<vmem>>
      %dma_start3A_52 = arith.constant 0 : i32
      %dma_start3A_53 = arith.constant 0 : i32
      %dma_start3A_54 = tpu.memref_slice %arg2[%dma_start3A_52, %dma_start3A_53] : memref<8192x128xi32, #tpu.memory_space<hbm>> -> memref<8192x128xi32, #tpu.memory_space<hbm>>
      tpu.enqueue_indirect_dma source(%dma_start3A_54 : memref<8192x128xi32, #tpu.memory_space<hbm>>) target(%dma_start3A_48 : memref<128x128xi32, #tpu.memory_space<vmem>>) offsets(%dma_start3A_51 : memref<128xi32, #tpu.memory_space<vmem>>) semaphore(%arg7 : memref<!tpu.dma_semaphore, #tpu.memory_space<semaphore_mem>>)
      %mul3A_55 = arith.constant 4 : i32
      %mul3A_56 = arith.muli %scan3A_9, %mul3A_55 : i32
      %add3A_57 = arith.constant 3 : i32
      %add3A_58 = arith.addi %mul3A_56, %add3A_57 : i32
      %dma_start3A_59 = arith.constant 3 : i32
      %dma_start3A_60 = arith.constant 0 : i32
      %dma_start3A_61 = arith.constant 0 : i32
      %dma_start3A_62 = tpu.memref_slice %arg6[%dma_start3A_59, %dma_start3A_60, %dma_start3A_61] : memref<4x128x128xi32, #tpu.memory_space<vmem>> -> memref<1x128x128xi32, #tpu.memory_space<vmem>>
      %dma_start3A_63 = tpu.memref_squeeze %dma_start3A_62 : memref<1x128x128xi32, #tpu.memory_space<vmem>> -> memref<128x128xi32, #tpu.memory_space<vmem>>
      %dma_start3A_64 = arith.constant 0 : i32
      %dma_start3A_65 = tpu.memref_slice %arg5[%add3A_58, %dma_start3A_64] : memref<128x128xi32, #tpu.memory_space<vmem>> -> memref<1x128xi32, #tpu.memory_space<vmem>>
      %dma_start3A_66 = tpu.memref_squeeze %dma_start3A_65 : memref<1x128xi32, #tpu.memory_space<vmem>> -> memref<128xi32, #tpu.memory_space<vmem>>
      %dma_start3A_67 = arith.constant 0 : i32
      %dma_start3A_68 = arith.constant 0 : i32
      %dma_start3A_69 = tpu.memref_slice %arg2[%dma_start3A_67, %dma_start3A_68] : memref<8192x128xi32, #tpu.memory_space<hbm>> -> memref<8192x128xi32, #tpu.memory_space<hbm>>
      tpu.enqueue_indirect_dma source(%dma_start3A_69 : memref<8192x128xi32, #tpu.memory_space<hbm>>) target(%dma_start3A_63 : memref<128x128xi32, #tpu.memory_space<vmem>>) offsets(%dma_start3A_66 : memref<128xi32, #tpu.memory_space<vmem>>) semaphore(%arg7 : memref<!tpu.dma_semaphore, #tpu.memory_space<semaphore_mem>>)
      %dma_wait3A = arith.constant 0 : i32
      %dma_wait3A_70 = arith.constant 0 : i32
      %dma_wait3A_71 = arith.constant 0 : i32
      %dma_wait3A_72 = tpu.memref_slice %arg6[%dma_wait3A, %dma_wait3A_70, %dma_wait3A_71] : memref<4x128x128xi32, #tpu.memory_space<vmem>> -> memref<1x128x128xi32, #tpu.memory_space<vmem>>
      %dma_wait3A_73 = tpu.memref_squeeze %dma_wait3A_72 : memref<1x128x128xi32, #tpu.memory_space<vmem>> -> memref<128x128xi32, #tpu.memory_space<vmem>>
      %dma_wait3A_74 = arith.constant 0 : i32
      %dma_wait3A_75 = tpu.memref_slice %arg5[%add3A_14, %dma_wait3A_74] : memref<128x128xi32, #tpu.memory_space<vmem>> -> memref<1x128xi32, #tpu.memory_space<vmem>>
      %dma_wait3A_76 = tpu.memref_squeeze %dma_wait3A_75 : memref<1x128xi32, #tpu.memory_space<vmem>> -> memref<128xi32, #tpu.memory_space<vmem>>
      %dma_wait3A_77 = arith.constant 0 : i32
      %dma_wait3A_78 = arith.constant 0 : i32
      %dma_wait3A_79 = tpu.memref_slice %arg2[%dma_wait3A_77, %dma_wait3A_78] : memref<8192x128xi32, #tpu.memory_space<hbm>> -> memref<8192x128xi32, #tpu.memory_space<hbm>>
      tpu.wait_indirect_dma semaphore(%arg7 : memref<!tpu.dma_semaphore, #tpu.memory_space<semaphore_mem>>) src(%dma_wait3A_79 : memref<8192x128xi32, #tpu.memory_space<hbm>>) dst(%dma_wait3A_73 : memref<128x128xi32, #tpu.memory_space<vmem>>)
      %mul3A_80 = arith.constant 4 : i32
      %mul3A_81 = arith.muli %scan3A_9, %mul3A_80 : i32
      %add3A_82 = arith.constant 0 : i32
      %add3A_83 = arith.addi %mul3A_81, %add3A_82 : i32
      %mul3A_84 = arith.constant 128 : i32
      %mul3A_85 = arith.muli %add3A_83, %mul3A_84 : i32
      %add3A_86 = arith.addi %mul3A_2, %mul3A_85 : i32
      %dma_start3A_87 = arith.constant 0 : i32
      %dma_start3A_88 = arith.constant 0 : i32
      %dma_start3A_89 = arith.constant 0 : i32
      %dma_start3A_90 = tpu.memref_slice %arg6[%dma_start3A_87, %dma_start3A_88, %dma_start3A_89] : memref<4x128x128xi32, #tpu.memory_space<vmem>> -> memref<1x128x128xi32, #tpu.memory_space<vmem>>
      %dma_start3A_91 = tpu.memref_squeeze %dma_start3A_90 : memref<1x128x128xi32, #tpu.memory_space<vmem>> -> memref<128x128xi32, #tpu.memory_space<vmem>>
      %dma_start3A_92 = arith.constant 0 : i32
      %dma_start3A_93 = tpu.memref_slice %arg4[%add3A_86, %dma_start3A_92] : memref<524288x128xi32, #tpu.memory_space<hbm>> -> memref<128x128xi32, #tpu.memory_space<hbm>>
      %dma_start3A_94 = arith.constant 0 : i32
      %dma_start3A_95 = tpu.memref_slice %arg4[%add3A_86, %dma_start3A_94] : memref<524288x128xi32, #tpu.memory_space<hbm>> -> memref<128x128xi32, #tpu.memory_space<hbm>>
      %dma_start3A_96 = arith.constant 0 : i32
      %dma_start3A_97 = arith.constant 0 : i32
      %dma_start3A_98 = tpu.memref_slice %arg6[%dma_start3A_87, %dma_start3A_96, %dma_start3A_97] : memref<4x128x128xi32, #tpu.memory_space<vmem>> -> memref<1x128x128xi32, #tpu.memory_space<vmem>>
      %dma_start3A_99 = tpu.memref_squeeze %dma_start3A_98 : memref<1x128x128xi32, #tpu.memory_space<vmem>> -> memref<128x128xi32, #tpu.memory_space<vmem>>
      tpu.enqueue_dma source(%dma_start3A_99 : memref<128x128xi32, #tpu.memory_space<vmem>>) target(%dma_start3A_95 : memref<128x128xi32, #tpu.memory_space<hbm>>) target_semaphore(%arg8 : memref<!tpu.dma_semaphore, #tpu.memory_space<semaphore_mem>>)
      %dma_wait3A_100 = arith.constant 1 : i32
      %dma_wait3A_101 = arith.constant 0 : i32
      %dma_wait3A_102 = arith.constant 0 : i32
      %dma_wait3A_103 = tpu.memref_slice %arg6[%dma_wait3A_100, %dma_wait3A_101, %dma_wait3A_102] : memref<4x128x128xi32, #tpu.memory_space<vmem>> -> memref<1x128x128xi32, #tpu.memory_space<vmem>>
      %dma_wait3A_104 = tpu.memref_squeeze %dma_wait3A_103 : memref<1x128x128xi32, #tpu.memory_space<vmem>> -> memref<128x128xi32, #tpu.memory_space<vmem>>
      %dma_wait3A_105 = arith.constant 0 : i32
      %dma_wait3A_106 = tpu.memref_slice %arg5[%add3A_28, %dma_wait3A_105] : memref<128x128xi32, #tpu.memory_space<vmem>> -> memref<1x128xi32, #tpu.memory_space<vmem>>
      %dma_wait3A_107 = tpu.memref_squeeze %dma_wait3A_106 : memref<1x128xi32, #tpu.memory_space<vmem>> -> memref<128xi32, #tpu.memory_space<vmem>>
      %dma_wait3A_108 = arith.constant 0 : i32
      %dma_wait3A_109 = arith.constant 0 : i32
      %dma_wait3A_110 = tpu.memref_slice %arg2[%dma_wait3A_108, %dma_wait3A_109] : memref<8192x128xi32, #tpu.memory_space<hbm>> -> memref<8192x128xi32, #tpu.memory_space<hbm>>
      tpu.wait_indirect_dma semaphore(%arg7 : memref<!tpu.dma_semaphore, #tpu.memory_space<semaphore_mem>>) src(%dma_wait3A_110 : memref<8192x128xi32, #tpu.memory_space<hbm>>) dst(%dma_wait3A_104 : memref<128x128xi32, #tpu.memory_space<vmem>>)
      %mul3A_111 = arith.constant 4 : i32
      %mul3A_112 = arith.muli %scan3A_9, %mul3A_111 : i32
      %add3A_113 = arith.constant 1 : i32
      %add3A_114 = arith.addi %mul3A_112, %add3A_113 : i32
      %mul3A_115 = arith.constant 128 : i32
      %mul3A_116 = arith.muli %add3A_114, %mul3A_115 : i32
      %add3A_117 = arith.addi %mul3A_2, %mul3A_116 : i32
      %dma_start3A_118 = arith.constant 1 : i32
      %dma_start3A_119 = arith.constant 0 : i32
      %dma_start3A_120 = arith.constant 0 : i32
      %dma_start3A_121 = tpu.memref_slice %arg6[%dma_start3A_118, %dma_start3A_119, %dma_start3A_120] : memref<4x128x128xi32, #tpu.memory_space<vmem>> -> memref<1x128x128xi32, #tpu.memory_space<vmem>>
      %dma_start3A_122 = tpu.memref_squeeze %dma_start3A_121 : memref<1x128x128xi32, #tpu.memory_space<vmem>> -> memref<128x128xi32, #tpu.memory_space<vmem>>
      %dma_start3A_123 = arith.constant 0 : i32
      %dma_start3A_124 = tpu.memref_slice %arg4[%add3A_117, %dma_start3A_123] : memref<524288x128xi32, #tpu.memory_space<hbm>> -> memref<128x128xi32, #tpu.memory_space<hbm>>
      %dma_start3A_125 = arith.constant 0 : i32
      %dma_start3A_126 = tpu.memref_slice %arg4[%add3A_117, %dma_start3A_125] : memref<524288x128xi32, #tpu.memory_space<hbm>> -> memref<128x128xi32, #tpu.memory_space<hbm>>
      %dma_start3A_127 = arith.constant 0 : i32
      %dma_start3A_128 = arith.constant 0 : i32
      %dma_start3A_129 = tpu.memref_slice %arg6[%dma_start3A_118, %dma_start3A_127, %dma_start3A_128] : memref<4x128x128xi32, #tpu.memory_space<vmem>> -> memref<1x128x128xi32, #tpu.memory_space<vmem>>
      %dma_start3A_130 = tpu.memref_squeeze %dma_start3A_129 : memref<1x128x128xi32, #tpu.memory_space<vmem>> -> memref<128x128xi32, #tpu.memory_space<vmem>>
      tpu.enqueue_dma source(%dma_start3A_130 : memref<128x128xi32, #tpu.memory_space<vmem>>) target(%dma_start3A_126 : memref<128x128xi32, #tpu.memory_space<hbm>>) target_semaphore(%arg8 : memref<!tpu.dma_semaphore, #tpu.memory_space<semaphore_mem>>)
      %dma_wait3A_131 = arith.constant 2 : i32
      %dma_wait3A_132 = arith.constant 0 : i32
      %dma_wait3A_133 = arith.constant 0 : i32
      %dma_wait3A_134 = tpu.memref_slice %arg6[%dma_wait3A_131, %dma_wait3A_132, %dma_wait3A_133] : memref<4x128x128xi32, #tpu.memory_space<vmem>> -> memref<1x128x128xi32, #tpu.memory_space<vmem>>
      %dma_wait3A_135 = tpu.memref_squeeze %dma_wait3A_134 : memref<1x128x128xi32, #tpu.memory_space<vmem>> -> memref<128x128xi32, #tpu.memory_space<vmem>>
      %dma_wait3A_136 = arith.constant 0 : i32
      %dma_wait3A_137 = tpu.memref_slice %arg5[%add3A_43, %dma_wait3A_136] : memref<128x128xi32, #tpu.memory_space<vmem>> -> memref<1x128xi32, #tpu.memory_space<vmem>>
      %dma_wait3A_138 = tpu.memref_squeeze %dma_wait3A_137 : memref<1x128xi32, #tpu.memory_space<vmem>> -> memref<128xi32, #tpu.memory_space<vmem>>
      %dma_wait3A_139 = arith.constant 0 : i32
      %dma_wait3A_140 = arith.constant 0 : i32
      %dma_wait3A_141 = tpu.memref_slice %arg2[%dma_wait3A_139, %dma_wait3A_140] : memref<8192x128xi32, #tpu.memory_space<hbm>> -> memref<8192x128xi32, #tpu.memory_space<hbm>>
      tpu.wait_indirect_dma semaphore(%arg7 : memref<!tpu.dma_semaphore, #tpu.memory_space<semaphore_mem>>) src(%dma_wait3A_141 : memref<8192x128xi32, #tpu.memory_space<hbm>>) dst(%dma_wait3A_135 : memref<128x128xi32, #tpu.memory_space<vmem>>)
      %mul3A_142 = arith.constant 4 : i32
      %mul3A_143 = arith.muli %scan3A_9, %mul3A_142 : i32
      %add3A_144 = arith.constant 2 : i32
      %add3A_145 = arith.addi %mul3A_143, %add3A_144 : i32
      %mul3A_146 = arith.constant 128 : i32
      %mul3A_147 = arith.muli %add3A_145, %mul3A_146 : i32
      %add3A_148 = arith.addi %mul3A_2, %mul3A_147 : i32
      %dma_start3A_149 = arith.constant 2 : i32
      %dma_start3A_150 = arith.constant 0 : i32
      %dma_start3A_151 = arith.constant 0 : i32
      %dma_start3A_152 = tpu.memref_slice %arg6[%dma_start3A_149, %dma_start3A_150, %dma_start3A_151] : memref<4x128x128xi32, #tpu.memory_space<vmem>> -> memref<1x128x128xi32, #tpu.memory_space<vmem>>
      %dma_start3A_153 = tpu.memref_squeeze %dma_start3A_152 : memref<1x128x128xi32, #tpu.memory_space<vmem>> -> memref<128x128xi32, #tpu.memory_space<vmem>>
      %dma_start3A_154 = arith.constant 0 : i32
      %dma_start3A_155 = tpu.memref_slice %arg4[%add3A_148, %dma_start3A_154] : memref<524288x128xi32, #tpu.memory_space<hbm>> -> memref<128x128xi32, #tpu.memory_space<hbm>>
      %dma_start3A_156 = arith.constant 0 : i32
      %dma_start3A_157 = tpu.memref_slice %arg4[%add3A_148, %dma_start3A_156] : memref<524288x128xi32, #tpu.memory_space<hbm>> -> memref<128x128xi32, #tpu.memory_space<hbm>>
      %dma_start3A_158 = arith.constant 0 : i32
      %dma_start3A_159 = arith.constant 0 : i32
      %dma_start3A_160 = tpu.memref_slice %arg6[%dma_start3A_149, %dma_start3A_158, %dma_start3A_159] : memref<4x128x128xi32, #tpu.memory_space<vmem>> -> memref<1x128x128xi32, #tpu.memory_space<vmem>>
      %dma_start3A_161 = tpu.memref_squeeze %dma_start3A_160 : memref<1x128x128xi32, #tpu.memory_space<vmem>> -> memref<128x128xi32, #tpu.memory_space<vmem>>
      tpu.enqueue_dma source(%dma_start3A_161 : memref<128x128xi32, #tpu.memory_space<vmem>>) target(%dma_start3A_157 : memref<128x128xi32, #tpu.memory_space<hbm>>) target_semaphore(%arg8 : memref<!tpu.dma_semaphore, #tpu.memory_space<semaphore_mem>>)
      %dma_wait3A_162 = arith.constant 3 : i32
      %dma_wait3A_163 = arith.constant 0 : i32
      %dma_wait3A_164 = arith.constant 0 : i32
      %dma_wait3A_165 = tpu.memref_slice %arg6[%dma_wait3A_162, %dma_wait3A_163, %dma_wait3A_164] : memref<4x128x128xi32, #tpu.memory_space<vmem>> -> memref<1x128x128xi32, #tpu.memory_space<vmem>>
      %dma_wait3A_166 = tpu.memref_squeeze %dma_wait3A_165 : memref<1x128x128xi32, #tpu.memory_space<vmem>> -> memref<128x128xi32, #tpu.memory_space<vmem>>
      %dma_wait3A_167 = arith.constant 0 : i32
      %dma_wait3A_168 = tpu.memref_slice %arg5[%add3A_58, %dma_wait3A_167] : memref<128x128xi32, #tpu.memory_space<vmem>> -> memref<1x128xi32, #tpu.memory_space<vmem>>
      %dma_wait3A_169 = tpu.memref_squeeze %dma_wait3A_168 : memref<1x128xi32, #tpu.memory_space<vmem>> -> memref<128xi32, #tpu.memory_space<vmem>>
      %dma_wait3A_170 = arith.constant 0 : i32
      %dma_wait3A_171 = arith.constant 0 : i32
      %dma_wait3A_172 = tpu.memref_slice %arg2[%dma_wait3A_170, %dma_wait3A_171] : memref<8192x128xi32, #tpu.memory_space<hbm>> -> memref<8192x128xi32, #tpu.memory_space<hbm>>
      tpu.wait_indirect_dma semaphore(%arg7 : memref<!tpu.dma_semaphore, #tpu.memory_space<semaphore_mem>>) src(%dma_wait3A_172 : memref<8192x128xi32, #tpu.memory_space<hbm>>) dst(%dma_wait3A_166 : memref<128x128xi32, #tpu.memory_space<vmem>>)
      %mul3A_173 = arith.constant 4 : i32
      %mul3A_174 = arith.muli %scan3A_9, %mul3A_173 : i32
      %add3A_175 = arith.constant 3 : i32
      %add3A_176 = arith.addi %mul3A_174, %add3A_175 : i32
      %mul3A_177 = arith.constant 128 : i32
      %mul3A_178 = arith.muli %add3A_176, %mul3A_177 : i32
      %add3A_179 = arith.addi %mul3A_2, %mul3A_178 : i32
      %dma_start3A_180 = arith.constant 3 : i32
      %dma_start3A_181 = arith.constant 0 : i32
      %dma_start3A_182 = arith.constant 0 : i32
      %dma_start3A_183 = tpu.memref_slice %arg6[%dma_start3A_180, %dma_start3A_181, %dma_start3A_182] : memref<4x128x128xi32, #tpu.memory_space<vmem>> -> memref<1x128x128xi32, #tpu.memory_space<vmem>>
      %dma_start3A_184 = tpu.memref_squeeze %dma_start3A_183 : memref<1x128x128xi32, #tpu.memory_space<vmem>> -> memref<128x128xi32, #tpu.memory_space<vmem>>
      %dma_start3A_185 = arith.constant 0 : i32
      %dma_start3A_186 = tpu.memref_slice %arg4[%add3A_179, %dma_start3A_185] : memref<524288x128xi32, #tpu.memory_space<hbm>> -> memref<128x128xi32, #tpu.memory_space<hbm>>
      %dma_start3A_187 = arith.constant 0 : i32
      %dma_start3A_188 = tpu.memref_slice %arg4[%add3A_179, %dma_start3A_187] : memref<524288x128xi32, #tpu.memory_space<hbm>> -> memref<128x128xi32, #tpu.memory_space<hbm>>
      %dma_start3A_189 = arith.constant 0 : i32
      %dma_start3A_190 = arith.constant 0 : i32
      %dma_start3A_191 = tpu.memref_slice %arg6[%dma_start3A_180, %dma_start3A_189, %dma_start3A_190] : memref<4x128x128xi32, #tpu.memory_space<vmem>> -> memref<1x128x128xi32, #tpu.memory_space<vmem>>
      %dma_start3A_192 = tpu.memref_squeeze %dma_start3A_191 : memref<1x128x128xi32, #tpu.memory_space<vmem>> -> memref<128x128xi32, #tpu.memory_space<vmem>>
      tpu.enqueue_dma source(%dma_start3A_192 : memref<128x128xi32, #tpu.memory_space<vmem>>) target(%dma_start3A_188 : memref<128x128xi32, #tpu.memory_space<hbm>>) target_semaphore(%arg8 : memref<!tpu.dma_semaphore, #tpu.memory_space<semaphore_mem>>)
      %dma_wait3A_193 = arith.constant 0 : i32
      %dma_wait3A_194 = arith.constant 0 : i32
      %dma_wait3A_195 = arith.constant 0 : i32
      %dma_wait3A_196 = tpu.memref_slice %arg6[%dma_wait3A_193, %dma_wait3A_194, %dma_wait3A_195] : memref<4x128x128xi32, #tpu.memory_space<vmem>> -> memref<1x128x128xi32, #tpu.memory_space<vmem>>
      %dma_wait3A_197 = tpu.memref_squeeze %dma_wait3A_196 : memref<1x128x128xi32, #tpu.memory_space<vmem>> -> memref<128x128xi32, #tpu.memory_space<vmem>>
      %dma_wait3A_198 = arith.constant 0 : i32
      %dma_wait3A_199 = tpu.memref_slice %arg4[%add3A_86, %dma_wait3A_198] : memref<524288x128xi32, #tpu.memory_space<hbm>> -> memref<128x128xi32, #tpu.memory_space<hbm>>
      %dma_wait3A_200 = arith.constant 0 : i32
      %dma_wait3A_201 = tpu.memref_slice %arg4[%add3A_86, %dma_wait3A_200] : memref<524288x128xi32, #tpu.memory_space<hbm>> -> memref<128x128xi32, #tpu.memory_space<hbm>>
      %dma_wait3A_202 = arith.constant 0 : i32
      %dma_wait3A_203 = arith.constant 0 : i32
      %dma_wait3A_204 = tpu.memref_slice %arg6[%dma_wait3A_193, %dma_wait3A_202, %dma_wait3A_203] : memref<4x128x128xi32, #tpu.memory_space<vmem>> -> memref<1x128x128xi32, #tpu.memory_space<vmem>>
      %dma_wait3A_205 = tpu.memref_squeeze %dma_wait3A_204 : memref<1x128x128xi32, #tpu.memory_space<vmem>> -> memref<128x128xi32, #tpu.memory_space<vmem>>
      tpu.wait_dma2 semaphore(%arg8 : memref<!tpu.dma_semaphore, #tpu.memory_space<semaphore_mem>>) src(%dma_wait3A_205 : memref<128x128xi32, #tpu.memory_space<vmem>>) dst(%dma_wait3A_201 : memref<128x128xi32, #tpu.memory_space<hbm>>)
      %dma_wait3A_206 = arith.constant 1 : i32
      %dma_wait3A_207 = arith.constant 0 : i32
      %dma_wait3A_208 = arith.constant 0 : i32
      %dma_wait3A_209 = tpu.memref_slice %arg6[%dma_wait3A_206, %dma_wait3A_207, %dma_wait3A_208] : memref<4x128x128xi32, #tpu.memory_space<vmem>> -> memref<1x128x128xi32, #tpu.memory_space<vmem>>
      %dma_wait3A_210 = tpu.memref_squeeze %dma_wait3A_209 : memref<1x128x128xi32, #tpu.memory_space<vmem>> -> memref<128x128xi32, #tpu.memory_space<vmem>>
      %dma_wait3A_211 = arith.constant 0 : i32
      %dma_wait3A_212 = tpu.memref_slice %arg4[%add3A_117, %dma_wait3A_211] : memref<524288x128xi32, #tpu.memory_space<hbm>> -> memref<128x128xi32, #tpu.memory_space<hbm>>
      %dma_wait3A_213 = arith.constant 0 : i32
      %dma_wait3A_214 = tpu.memref_slice %arg4[%add3A_117, %dma_wait3A_213] : memref<524288x128xi32, #tpu.memory_space<hbm>> -> memref<128x128xi32, #tpu.memory_space<hbm>>
      %dma_wait3A_215 = arith.constant 0 : i32
      %dma_wait3A_216 = arith.constant 0 : i32
      %dma_wait3A_217 = tpu.memref_slice %arg6[%dma_wait3A_206, %dma_wait3A_215, %dma_wait3A_216] : memref<4x128x128xi32, #tpu.memory_space<vmem>> -> memref<1x128x128xi32, #tpu.memory_space<vmem>>
      %dma_wait3A_218 = tpu.memref_squeeze %dma_wait3A_217 : memref<1x128x128xi32, #tpu.memory_space<vmem>> -> memref<128x128xi32, #tpu.memory_space<vmem>>
      tpu.wait_dma2 semaphore(%arg8 : memref<!tpu.dma_semaphore, #tpu.memory_space<semaphore_mem>>) src(%dma_wait3A_218 : memref<128x128xi32, #tpu.memory_space<vmem>>) dst(%dma_wait3A_214 : memref<128x128xi32, #tpu.memory_space<hbm>>)
      %dma_wait3A_219 = arith.constant 2 : i32
      %dma_wait3A_220 = arith.constant 0 : i32
      %dma_wait3A_221 = arith.constant 0 : i32
      %dma_wait3A_222 = tpu.memref_slice %arg6[%dma_wait3A_219, %dma_wait3A_220, %dma_wait3A_221] : memref<4x128x128xi32, #tpu.memory_space<vmem>> -> memref<1x128x128xi32, #tpu.memory_space<vmem>>
      %dma_wait3A_223 = tpu.memref_squeeze %dma_wait3A_222 : memref<1x128x128xi32, #tpu.memory_space<vmem>> -> memref<128x128xi32, #tpu.memory_space<vmem>>
      %dma_wait3A_224 = arith.constant 0 : i32
      %dma_wait3A_225 = tpu.memref_slice %arg4[%add3A_148, %dma_wait3A_224] : memref<524288x128xi32, #tpu.memory_space<hbm>> -> memref<128x128xi32, #tpu.memory_space<hbm>>
      %dma_wait3A_226 = arith.constant 0 : i32
      %dma_wait3A_227 = tpu.memref_slice %arg4[%add3A_148, %dma_wait3A_226] : memref<524288x128xi32, #tpu.memory_space<hbm>> -> memref<128x128xi32, #tpu.memory_space<hbm>>
      %dma_wait3A_228 = arith.constant 0 : i32
      %dma_wait3A_229 = arith.constant 0 : i32
      %dma_wait3A_230 = tpu.memref_slice %arg6[%dma_wait3A_219, %dma_wait3A_228, %dma_wait3A_229] : memref<4x128x128xi32, #tpu.memory_space<vmem>> -> memref<1x128x128xi32, #tpu.memory_space<vmem>>
      %dma_wait3A_231 = tpu.memref_squeeze %dma_wait3A_230 : memref<1x128x128xi32, #tpu.memory_space<vmem>> -> memref<128x128xi32, #tpu.memory_space<vmem>>
      tpu.wait_dma2 semaphore(%arg8 : memref<!tpu.dma_semaphore, #tpu.memory_space<semaphore_mem>>) src(%dma_wait3A_231 : memref<128x128xi32, #tpu.memory_space<vmem>>) dst(%dma_wait3A_227 : memref<128x128xi32, #tpu.memory_space<hbm>>)
      %dma_wait3A_232 = arith.constant 3 : i32
      %dma_wait3A_233 = arith.constant 0 : i32
      %dma_wait3A_234 = arith.constant 0 : i32
      %dma_wait3A_235 = tpu.memref_slice %arg6[%dma_wait3A_232, %dma_wait3A_233, %dma_wait3A_234] : memref<4x128x128xi32, #tpu.memory_space<vmem>> -> memref<1x128x128xi32, #tpu.memory_space<vmem>>
      %dma_wait3A_236 = tpu.memref_squeeze %dma_wait3A_235 : memref<1x128x128xi32, #tpu.memory_space<vmem>> -> memref<128x128xi32, #tpu.memory_space<vmem>>
      %dma_wait3A_237 = arith.constant 0 : i32
      %dma_wait3A_238 = tpu.memref_slice %arg4[%add3A_179, %dma_wait3A_237] : memref<524288x128xi32, #tpu.memory_space<hbm>> -> memref<128x128xi32, #tpu.memory_space<hbm>>
      %dma_wait3A_239 = arith.constant 0 : i32
      %dma_wait3A_240 = tpu.memref_slice %arg4[%add3A_179, %dma_wait3A_239] : memref<524288x128xi32, #tpu.memory_space<hbm>> -> memref<128x128xi32, #tpu.memory_space<hbm>>
      %dma_wait3A_241 = arith.constant 0 : i32
      %dma_wait3A_242 = arith.constant 0 : i32
      %dma_wait3A_243 = tpu.memref_slice %arg6[%dma_wait3A_232, %dma_wait3A_241, %dma_wait3A_242] : memref<4x128x128xi32, #tpu.memory_space<vmem>> -> memref<1x128x128xi32, #tpu.memory_space<vmem>>
      %dma_wait3A_244 = tpu.memref_squeeze %dma_wait3A_243 : memref<1x128x128xi32, #tpu.memory_space<vmem>> -> memref<128x128xi32, #tpu.memory_space<vmem>>
      tpu.wait_dma2 semaphore(%arg8 : memref<!tpu.dma_semaphore, #tpu.memory_space<semaphore_mem>>) src(%dma_wait3A_244 : memref<128x128xi32, #tpu.memory_space<vmem>>) dst(%dma_wait3A_240 : memref<128x128xi32, #tpu.memory_space<hbm>>)
      %scan3A_245 = arith.constant 0 : i32
      scf.yield %scan3A_245 : i32
    }
    %scan3A_8 = arith.constant 32 : i32
    return
  }
}

module attributes {stable_mosaic.version = 14 : i64} {
  func.func @_tc_mlp_body(%arg0: i32, %arg1: memref<4096x128xi32, #tpu.memory_space<vmem>>, %arg2: memref<4096x128xi32, #tpu.memory_space<vmem>>, %arg3: memref<4096x1xi32, #tpu.memory_space<vmem>>, %arg4: memref<4096x1xi32, #tpu.memory_space<vmem>>, %arg5: memref<1x16xi32, #tpu.memory_space<vmem>>, %arg6: memref<400x256xbf16, #tpu.memory_space<vmem>>, %arg7: memref<256x256xbf16, #tpu.memory_space<vmem>>, %arg8: memref<256x128xbf16, #tpu.memory_space<vmem>>, %arg9: memref<4096x2xf32, #tpu.memory_space<vmem>>) attributes {dimension_semantics = [#tpu.dimension_semantics<parallel>], iteration_bounds = array<i64: 64>, scalar_prefetch = 0 : i64, scratch_operands = 0 : i64, tpu.core_type = #tpu.core_type<tc>, window_params = [{transform_indices = @transform_0, window_bounds = array<i64: 4096, 128>}, {transform_indices = @transform_1, window_bounds = array<i64: 4096, 128>}, {transform_indices = @transform_2, window_bounds = array<i64: 4096, 1>}, {transform_indices = @transform_3, window_bounds = array<i64: 4096, 1>}, {pipeline_mode = #tpu.pipeline_mode<synchronous>, transform_indices = @transform_4, window_bounds = array<i64: 1, 16>}, {pipeline_mode = #tpu.pipeline_mode<synchronous>, transform_indices = @transform_5, window_bounds = array<i64: 400, 256>}, {pipeline_mode = #tpu.pipeline_mode<synchronous>, transform_indices = @transform_6, window_bounds = array<i64: 256, 256>}, {pipeline_mode = #tpu.pipeline_mode<synchronous>, transform_indices = @transform_7, window_bounds = array<i64: 256, 128>}, {transform_indices = @transform_8, window_bounds = array<i64: 4096, 2>}]} {
    %get3A = arith.constant 0 : index
    %get3A_0 = arith.constant 0 : index
    %get3A_1 = vector.load %arg1[%get3A, %get3A_0] : memref<4096x128xi32, #tpu.memory_space<vmem>>, vector<4096x128xi32>
    %bitcast_convert_type3A = tpu.bitcast %get3A_1 : vector<4096x128xi32> -> vector<4096x128xf32>
    %convert_element_type3A = arith.truncf %bitcast_convert_type3A : vector<4096x128xf32> to vector<4096x128xbf16>
    %get3A_2 = arith.constant 0 : index
    %get3A_3 = arith.constant 0 : index
    %get3A_4 = vector.load %arg2[%get3A_2, %get3A_3] : memref<4096x128xi32, #tpu.memory_space<vmem>>, vector<4096x128xi32>
    %bitcast_convert_type3A_5 = tpu.bitcast %get3A_4 : vector<4096x128xi32> -> vector<4096x128xf32>
    %convert_element_type3A_6 = arith.truncf %bitcast_convert_type3A_5 : vector<4096x128xf32> to vector<4096x128xbf16>
    %mul3A = arith.mulf %convert_element_type3A, %convert_element_type3A_6 : vector<4096x128xbf16>
    %iota3A = tpu.iota {dimensions = array<i32: 1>} : vector<4096x16xi32>
    %get3A_7 = arith.constant 0 : index
    %get3A_8 = arith.constant 0 : index
    %get3A_9 = vector.load %arg3[%get3A_7, %get3A_8] : memref<4096x1xi32, #tpu.memory_space<vmem>>, vector<4096x1xi32>
    %broadcast_in_dim3A = vector.shape_cast %get3A_9 : vector<4096x1xi32> to vector<4096x1xi32>
    %broadcast_in_dim3A_10 = vector.broadcast %broadcast_in_dim3A : vector<4096x1xi32> to vector<4096x16xi32>
    %get3A_11 = arith.constant 0 : index
    %get3A_12 = arith.constant 0 : index
    %get3A_13 = vector.load %arg4[%get3A_11, %get3A_12] : memref<4096x1xi32, #tpu.memory_space<vmem>>, vector<4096x1xi32>
    %broadcast_in_dim3A_14 = vector.shape_cast %get3A_13 : vector<4096x1xi32> to vector<4096x1xi32>
    %broadcast_in_dim3A_15 = vector.broadcast %broadcast_in_dim3A_14 : vector<4096x1xi32> to vector<4096x16xi32>
    %get3A_16 = arith.constant 0 : index
    %get3A_17 = arith.constant 0 : index
    %get3A_18 = vector.load %arg5[%get3A_16, %get3A_17] : memref<1x16xi32, #tpu.memory_space<vmem>>, vector<1x16xi32>
    %broadcast_in_dim3A_19 = vector.shape_cast %get3A_18 : vector<1x16xi32> to vector<1x16xi32>
    %broadcast_in_dim3A_20 = vector.broadcast %broadcast_in_dim3A_19 : vector<1x16xi32> to vector<4096x16xi32>
    %lt3A = arith.constant 8 : i32
    %lt3A_21 = vector.broadcast %lt3A : i32 to vector<4096x16xi32>
    %lt3A_22 = arith.cmpi slt, %iota3A, %lt3A_21 : vector<4096x16xi32>
    %gt3A = arith.cmpi sgt, %broadcast_in_dim3A_10, %broadcast_in_dim3A_20 : vector<4096x16xi32>
    %convert_element_type3A_23 = arith.extui %gt3A : vector<4096x16xi1> to vector<4096x16xi32>
    %convert_element_type3A_24 = arith.sitofp %convert_element_type3A_23 : vector<4096x16xi32> to vector<4096x16xf32>
    %lt3A_25 = arith.constant 11 : i32
    %lt3A_26 = vector.broadcast %lt3A_25 : i32 to vector<4096x16xi32>
    %lt3A_27 = arith.cmpi slt, %iota3A, %lt3A_26 : vector<4096x16xi32>
    %sub3A = arith.constant 8 : i32
    %sub3A_28 = vector.broadcast %sub3A : i32 to vector<4096x16xi32>
    %sub3A_29 = arith.subi %iota3A, %sub3A_28 : vector<4096x16xi32>
    %eq3A = arith.cmpi eq, %broadcast_in_dim3A_15, %sub3A_29 : vector<4096x16xi32>
    %convert_element_type3A_30 = arith.extui %eq3A : vector<4096x16xi1> to vector<4096x16xi32>
    %convert_element_type3A_31 = arith.sitofp %convert_element_type3A_30 : vector<4096x16xi32> to vector<4096x16xf32>
    %eq3A_32 = arith.constant 11 : i32
    %eq3A_33 = vector.broadcast %eq3A_32 : i32 to vector<4096x16xi32>
    %eq3A_34 = arith.cmpi eq, %iota3A, %eq3A_33 : vector<4096x16xi32>
    %jit3A = arith.constant 1.000000e+00 : f32
    %jit3A_35 = arith.constant 0.000000e+00 : f32
    %broadcast_in_dim3A_36 = vector.broadcast %jit3A : f32 to vector<4096x16xf32>
    %broadcast_in_dim3A_37 = vector.broadcast %jit3A_35 : f32 to vector<4096x16xf32>
    %select_n3A = arith.select %eq3A_34, %broadcast_in_dim3A_36, %broadcast_in_dim3A_37 : vector<4096x16xi1>, vector<4096x16xf32>
    %select_n3A_38 = arith.select %lt3A_27, %convert_element_type3A_31, %select_n3A : vector<4096x16xi1>, vector<4096x16xf32>
    %select_n3A_39 = arith.select %lt3A_22, %convert_element_type3A_24, %select_n3A_38 : vector<4096x16xi1>, vector<4096x16xf32>
    %convert_element_type3A_40 = arith.truncf %select_n3A_39 : vector<4096x16xf32> to vector<4096x16xbf16>
    %concatenate3A = tpu.concatenate %convert_element_type3A, %convert_element_type3A_6, %mul3A, %convert_element_type3A_40 in 1 : vector<4096x128xbf16>, vector<4096x128xbf16>, vector<4096x128xbf16>, vector<4096x16xbf16> -> vector<4096x400xbf16>
    %get3A_41 = arith.constant 0 : index
    %get3A_42 = arith.constant 0 : index
    %get3A_43 = vector.load %arg6[%get3A_41, %get3A_42] : memref<400x256xbf16, #tpu.memory_space<vmem>>, vector<400x256xbf16>
    %dot_general3A = arith.constant dense<0.000000e+00> : vector<4096x256xf32>
    %dot_general3A_44 = tpu.matmul %concatenate3A, %get3A_43, %dot_general3A {dimension_numbers = #tpu.dot_dimension_numbers<[1], [0], [0], [1], [0, 0, 1, 1], [], []>, transpose_lhs_hint = false} : vector<4096x400xbf16>, vector<400x256xbf16>, vector<4096x256xf32> -> vector<4096x256xf32>
    %max3A = arith.constant 0.000000e+00 : f32
    %max3A_45 = vector.broadcast %max3A : f32 to vector<4096x256xf32>
    %max3A_46 = arith.maximumf %dot_general3A_44, %max3A_45 : vector<4096x256xf32>
    %convert_element_type3A_47 = arith.truncf %max3A_46 : vector<4096x256xf32> to vector<4096x256xbf16>
    %get3A_48 = arith.constant 0 : index
    %get3A_49 = arith.constant 0 : index
    %get3A_50 = vector.load %arg7[%get3A_48, %get3A_49] : memref<256x256xbf16, #tpu.memory_space<vmem>>, vector<256x256xbf16>
    %dot_general3A_51 = arith.constant dense<0.000000e+00> : vector<4096x256xf32>
    %dot_general3A_52 = tpu.matmul %convert_element_type3A_47, %get3A_50, %dot_general3A_51 {dimension_numbers = #tpu.dot_dimension_numbers<[1], [0], [0], [1], [0, 0, 1, 1], [], []>, transpose_lhs_hint = false} : vector<4096x256xbf16>, vector<256x256xbf16>, vector<4096x256xf32> -> vector<4096x256xf32>
    %max3A_53 = arith.constant 0.000000e+00 : f32
    %max3A_54 = vector.broadcast %max3A_53 : f32 to vector<4096x256xf32>
    %max3A_55 = arith.maximumf %dot_general3A_52, %max3A_54 : vector<4096x256xf32>
    %convert_element_type3A_56 = arith.truncf %max3A_55 : vector<4096x256xf32> to vector<4096x256xbf16>
    %get3A_57 = arith.constant 0 : index
    %get3A_58 = arith.constant 0 : index
    %get3A_59 = vector.load %arg8[%get3A_57, %get3A_58] : memref<256x128xbf16, #tpu.memory_space<vmem>>, vector<256x128xbf16>
    %dot_general3A_60 = arith.constant dense<0.000000e+00> : vector<4096x128xf32>
    %dot_general3A_61 = tpu.matmul %convert_element_type3A_56, %get3A_59, %dot_general3A_60 {dimension_numbers = #tpu.dot_dimension_numbers<[1], [0], [0], [1], [0, 0, 1, 1], [], []>, transpose_lhs_hint = false} : vector<4096x256xbf16>, vector<256x128xbf16>, vector<4096x128xf32> -> vector<4096x128xf32>
    %slice3A = vector.extract_strided_slice %dot_general3A_61 {offsets = [0, 0], sizes = [4096, 2], strides = [1, 1]} : vector<4096x128xf32> to vector<4096x2xf32>
    %swap3A = arith.constant 0 : index
    %swap3A_62 = arith.constant 0 : index
    %swap3A_63 = vector.load %arg9[%swap3A, %swap3A_62] : memref<4096x2xf32, #tpu.memory_space<vmem>>, vector<4096x2xf32>
    tpu.vector_store %arg9[%swap3A, %swap3A_62], %slice3A {strides = array<i32>} : memref<4096x2xf32, #tpu.memory_space<vmem>>, vector<4096x2xf32>,
    return
  }
  func.func @transform_0(%arg0: i32) -> (i32, i32) {
    %c0_i32 = arith.constant 0 : i32
    %c0_i32_0 = arith.constant 0 : i32
    return %arg0, %c0_i32 : i32, i32
  }
  func.func @transform_1(%arg0: i32) -> (i32, i32) {
    %add3A = arith.constant 64 : i32
    %add3A_0 = arith.addi %arg0, %add3A : i32
    %c0_i32 = arith.constant 0 : i32
    %c0_i32_1 = arith.constant 0 : i32
    return %add3A_0, %c0_i32 : i32, i32
  }
  func.func @transform_2(%arg0: i32) -> (i32, i32) {
    %c0_i32 = arith.constant 0 : i32
    %c0_i32_0 = arith.constant 0 : i32
    return %arg0, %c0_i32 : i32, i32
  }
  func.func @transform_3(%arg0: i32) -> (i32, i32) {
    %c0_i32 = arith.constant 0 : i32
    %c0_i32_0 = arith.constant 0 : i32
    return %arg0, %c0_i32 : i32, i32
  }
  func.func @transform_4(%arg0: i32) -> (i32, i32) {
    %c0_i32 = arith.constant 0 : i32
    %c0_i32_0 = arith.constant 0 : i32
    %c0_i32_1 = arith.constant 0 : i32
    return %c0_i32, %c0_i32_0 : i32, i32
  }
  func.func @transform_5(%arg0: i32) -> (i32, i32) {
    %c0_i32 = arith.constant 0 : i32
    %c0_i32_0 = arith.constant 0 : i32
    %c0_i32_1 = arith.constant 0 : i32
    return %c0_i32, %c0_i32_0 : i32, i32
  }
  func.func @transform_6(%arg0: i32) -> (i32, i32) {
    %c0_i32 = arith.constant 0 : i32
    %c0_i32_0 = arith.constant 0 : i32
    %c0_i32_1 = arith.constant 0 : i32
    return %c0_i32, %c0_i32_0 : i32, i32
  }
  func.func @transform_7(%arg0: i32) -> (i32, i32) {
    %c0_i32 = arith.constant 0 : i32
    %c0_i32_0 = arith.constant 0 : i32
    %c0_i32_1 = arith.constant 0 : i32
    return %c0_i32, %c0_i32_0 : i32, i32
  }
  func.func @transform_8(%arg0: i32) -> (i32, i32) {
    %c0_i32 = arith.constant 0 : i32
    %c0_i32_0 = arith.constant 0 : i32
    return %arg0, %c0_i32 : i32, i32
  }
}

</mosaic_0001>

<sc_bundles>
// kernel: kernel.4.cloned.1.call-start
scs
__scs_entry_jumppad:
0x0: {  	(pc) =	sbr.rel $0x88, $3  }
0x1: {  	(tag) =	ssettag $0x0;
	lr =	simm.s32 $0x1  }
0x2: {  	[smem:$0x3F93] =	sst lr;
	_ =	strace $0xD0000000  }
0x3: {  	_ = 	snop  }
0x4: {  	_ = 	snop  }
0x5: {  	_ = 	snop  }
0x6: {  	_ = 	snop  }
0x7: {  	_ = 	snop  }
__scs_overlays_trampoline_lowered:
0x8: {  	[smem:$0x3FA2] =	sst s0  }
0x9: {  	[smem:$0x3FA3] =	sst s1  }
0xa: {  	[smem:$0x3FA4] =	sst s2  }
0xb: {  	[smem:$0x3FA5] =	sst s3  }
0xc: {  	[smem:$0x3FA6] =	sst s4  }
0xd: {  	[smem:$0x3FA7] =	sst s5  }
0xe: {  	[smem:$0x3FA8] =	sst s6  }
0xf: {  	[smem:$0x3FA9] =	sst s7  }
0x10: {  	[smem:$0x3FAA] =	sst s8  }
0x11: {  	[smem:$0x3FAB] =	sst s9;
	s0 =	simm.s32 @!p0 $0x0  }
0x12: {  	s1 =	sld [smem:$0x3F91];
	s0 =	simm.s32 @p0 $0x1  }
0x13: {  	[smem:$0x3FAC] =	sst s0;
	s0 =	simm.s32 @!p1 $0x0  }
0x14: {  	s2 =	sld [smem:$0x3F90];
	s0 =	simm.s32 @p1 $0x1  }
0x15: {  	[smem:$0x3FAD] =	sst s0;
	s0 =	simm.s32 @!p2 $0x0  }
0x16: {  	s3 =	sld [smem:$0x3FDB];
	s0 =	simm.s32 @p2 $0x1  }
0x17: {  	s4 =	simm.s32 $0x1BF5;
	[smem:$0x3FAF] =	sst s0  }
0x18: {  	s0 =	sld [smem:$0x3F92];
	_ =	swait.ge [sflag:s4], $0x0  }
0x19: {  	s7 =	sld [smem:$0x3F93]  }
0x1a: {  	s8 =	sadd.s32 $0xFFFFE003, lr  }
0x1b: {  	s9 =	sadd.s32 $0xFFFFFEF7, lr;
	s5 =	simm.s32 $0xFFFFFFFF;
	p2 =	slt.u32 s8, $0xFFFFF086  }
0x1c: {  	p1 =	slt.u32 s9, $0xF7A;
	s5 =	simm.s32 @!p2 $0x0  }
0x1d: {  	s5 =	simm.s32 @p1 $0x1;
	p0 =	seq.s32 s7, s2  }
0x1e: {  	s7 =	smul.u32 @!p0 $0xF7A, s2;
	p2 =	seq.s32 @!p0 s5, $0x0  }
0x1f: {  	s9 =	smul.u32 $0xF7A, s1;
	s8 =	simm.s32 @!p0 $0x1BF5;
	p2 =	por !p2, p0  }
0x20: {  	[sflag:s8] =	ssyncset.s32 @!p0 $0xFFFFF086;
	s6 =	sadd.s32 @!p0 s3, s7;
	s7 =	simm.s32 @!p0 $0x108  }
0x21: {  	s3 =	sadd.s32 s3, s9;
	s6 =	sadd.s32 @!p0 $0x88, s6;
	s7 =	simm.s32 @p2 $0x1082  }
0x22: {  	[simem:s7], [sflag:s8] =	dma.local @!p0 [hbm:s6], $0xF7A  }
0x23: {  	s9 =	sor.u32 $0xD0000000, s2;
	s6 =	simm.s32 $0x108;
	_ =	swait.ge @!p0 [sflag:s8], $0x0  }
0x24: {  	s3 =	sadd.s32 $0x88, s3;
	s6 =	simm.s32 @!p1 $0x1082;
	[sflag:s4] =	ssyncset.s32 $0xFFFFF086  }
0x25: {  	[simem:s6], [sflag:s4] =	dma.local [hbm:s3], $0xF7A  }
0x26: {  	[smem:$0x3F93] =	sst s1;
	(tag) =	ssettag s2;
	_ =	strace s9  }
0x27: {  	s1 =	sld [smem:$0x3FA3]  }
0x28: {  	s2 =	sld [smem:$0x3FA4]  }
0x29: {  	s4 =	sld [smem:$0x3FA6]  }
0x2a: {  	p0 =	seq.s32 s5, $0x0;
	s5 =	sld [smem:$0x3FA7]  }
0x2b: {  	s6 =	sld [smem:$0x3FA8]  }
0x2c: {  	s7 =	sld [smem:$0x3FA9]  }
0x2d: {  	s3 =	simm.s32 $0x108;
	s8 =	sld [smem:$0x3FAA]  }
0x2e: {  	s3 =	simm.s32 @!p0 $0x1082;
	s9 =	sld [smem:$0x3FAB]  }
0x2f: {  	lr =	sadd.s32 s0, s3;
	s0 =	sld [smem:$0x3FA2]  }
0x30: {  	s3 =	sld [smem:$0x3FA5]  }
0x31: {  	[smem:$0x3FAE] =	sst s10  }
0x32: {  	s10 =	sld [smem:$0x3FAC];
	_ =	sdelay $0x3  }
0x33: {  	p0 =	seq.s32 s10, $0x1;
	s10 =	sld [smem:$0x3FAE];
	_ =	sdelay $0x3  }
0x34: {  	[smem:$0x3FAE] =	sst s10  }
0x35: {  	s10 =	sld [smem:$0x3FAD];
	_ =	sdelay $0x3  }
0x36: {  	p1 =	seq.s32 s10, $0x1;
	s10 =	sld [smem:$0x3FAE];
	_ =	sdelay $0x3  }
0x37: {  	[smem:$0x3FAE] =	sst s10  }
0x38: {  	s10 =	sld [smem:$0x3FAF]  }
0x39: {  	_ = 	snop;
	(pc) =	sbr.ind lr, $3  }
0x3a: {  	_ = 	snop  }
0x3b: {  	_ = 	snop  }
0x3c: {  	p2 =	seq.s32 s10, $0x1;
	s10 =	sld [smem:$0x3FAE]  }
0x3d: {  	_ =	shalt  }
0x3e: {  	_ =	shalt  }
0x3f: {  	_ =	shalt  }
0x40: {  	_ =	shalt  }
0x41: {  	_ =	shalt  }
0x42: {  	_ =	shalt  }
0x43: {  	_ =	shalt  }
0x44: {  	_ =	shalt  }
0x45: {  	_ =	shalt  }
0x46: {  	_ =	shalt  }
0x47: {  	_ =	shalt  }
0x48: {  	_ =	shalt  }
0x49: {  	_ =	shalt  }
0x4a: {  	_ =	shalt  }
0x4b: {  	_ =	shalt  }
0x4c: {  	_ =	shalt  }
0x4d: {  	_ =	shalt  }
0x4e: {  	_ =	shalt  }
0x4f: {  	_ =	shalt  }
0x50: {  	_ =	shalt  }
0x51: {  	_ =	shalt  }
0x52: {  	_ =	shalt  }
0x53: {  	_ =	shalt  }
0x54: {  	_ =	shalt  }
0x55: {  	_ =	shalt  }
0x56: {  	_ =	shalt  }
0x57: {  	_ =	shalt  }
0x58: {  	_ =	shalt  }
0x59: {  	_ =	shalt  }
0x5a: {  	_ =	shalt  }
0x5b: {  	_ =	shalt  }
0x5c: {  	_ =	shalt  }
0x5d: {  	_ =	shalt  }
0x5e: {  	_ =	shalt  }
0x5f: {  	_ =	shalt  }
0x60: {  	_ =	shalt  }
0x61: {  	_ =	shalt  }
0x62: {  	_ =	shalt  }
0x63: {  	_ =	shalt  }
0x64: {  	_ =	shalt  }
0x65: {  	_ =	shalt  }
0x66: {  	_ =	shalt  }
0x67: {  	_ =	shalt  }
0x68: {  	_ =	shalt  }
0x69: {  	_ =	shalt  }
0x6a: {  	_ =	shalt  }
0x6b: {  	_ =	shalt  }
0x6c: {  	_ =	shalt  }
0x6d: {  	_ =	shalt  }
0x6e: {  	_ =	shalt  }
0x6f: {  	_ =	shalt  }
0x70: {  	_ =	shalt  }
0x71: {  	_ =	shalt  }
0x72: {  	_ =	shalt  }
0x73: {  	_ =	shalt  }
0x74: {  	_ =	shalt  }
0x75: {  	_ =	shalt  }
0x76: {  	_ =	shalt  }
0x77: {  	_ =	shalt  }
0x78: {  	_ =	shalt  }
0x79: {  	_ =	shalt  }
0x7a: {  	_ =	shalt  }
0x7b: {  	_ =	shalt  }
0x7c: {  	_ =	shalt  }
0x7d: {  	_ =	shalt  }
0x7e: {  	_ =	shalt  }
0x7f: {  	_ =	shalt  }
0x80: {  	_ =	shalt  }
0x81: {  	_ =	shalt  }
0x82: {  	_ =	shalt  }
0x83: {  	_ =	shalt  }
0x84: {  	_ =	shalt  }
0x85: {  	_ =	shalt  }
0x86: {  	_ =	shalt  }
0x87: {  	_ =	shalt  }
.Lfunc_end0:
.L_simem_size_0:
called_computation_lowered:
.L_overlay_start_0:
0x88: {  	s2 =	sld [smem:$0x3FD9]  }
0x89: {  	s3 =	sld [smem:$0x3FFE];
	_ =	sdelay $0x1  }
0x8a: {  	s1 =	srdreg.scid  }
0x8b: {  	s0 =	sand.u32 $0x1, s1  }
0x8c: {  	s17 =	sshll.u32 s0, $0xA;
	s2 =	sadd.s32 s3, s2  }
0x8d: {  	s2 =	sadd.s32 s2, s17  }
0x8e: {  	[smem:$0x3FBA] =	sst s2  }
0x8f: {  	_ = 	snop  }
0x90: {  	s2 =	sld [smem:$0x3FD0];
	(tm) =	ssettm $0x1  }
0x91: {  	s18 =	sld [smem:$0x3FFB];
	_ =	sdelay $0x3  }
0x92: {  	_ =	strace s18  }
0x93: {  	s3 =	sld [smem:$0x3FFC];
	_ =	sdelay $0x3  }
0x94: {  	_ =	strace s3  }
0x95: {  	s3 =	sld [smem:$0x3FFD];
	_ =	sdelay $0x3  }
0x96: {  	_ =	strace s3  }
0x97: {  	_ =	strace $0x8FFFFFFF  }
0x98: {  	s19 =	sld [smem:$0x3FDB];
	_ =	sdelay $0x1  }
0x99: {  	s4 =	simm.s32 $_scs_section_size  }
0x9a: {  	s5 =	simm.s32 $_size__tile_overlayer_lowered;
	s6 =	simm.s32 $_tile_overlayer_lowered  }
0x9b: {  	s22 =	simm.s32 $0x1BFF;
	s21 =	sshll.u32 s6, $0x1;
	s3 =	sadd.s32 s4, s19  }
0x9c: {  	s7 =	simm.s32 $0x0;
	s20 =	sshll.u32 s5, $0x1;
	s5 =	sadd.s32 s21, s3  }
0x9d: {  	[timem:s7], [sflag:s22] =	dma.local [hbm:s5], s20  }
0x9e: {  	_ =	swait.ge [sflag:s22], s20  }
0x9f: {  	s4 =	ssub.s32 $0x0, s20;
	[sflag:s22] =	ssyncset.done $0x0  }
0xa0: {  	[sflag:s22] =	ssyncadd.s32 s4;
	_ =	sdelay $0x1  }
0xa1: {  	s23 =	simm.s32 $0x1B8B  }
0xa2: {  	_ =	swait.ge [sflag:s23], $0x1  }
0xa3: {  	[sflag:s23] =	ssyncset.done $0x0  }
0xa4: {  	s25 =	simm.s32 $0x1B8E;
	s24 =	sld [smem:$0x3FFE];
	[sflag:s23] =	ssyncadd.s32 $0xFFFFFFFF  }
0xa5: {  	s26 =	simm.s32 $execute0_lowered;
	[smem:$0x3FD2] =	sst s25  }
0xa6: {  	s5 =	sshll.u32 s26, $0x1;
	_ =	strace $0x80000046;
	[dreg:$0x1] =	wrdreg $0xFFFFFFFF  }
0xa7: {  	s28 =	simm.s32 $_size_execute0_lowered;
	s3 =	sadd.s32 s3, s5;
	[dreg:$0x0] =	wrdreg $0x0  }
0xa8: {  	s5 =	sshll.u32 s28, $0x1;
	[dreg:$0x2] =	wrdreg s3  }
0xa9: {  	[dreg:$0x3] =	wrdreg s5  }
0xaa: {  	[dreg:$0x4] =	wrdreg $0xC0  }
0xab: {  	_ =	task [dreg:s7], $0x5FFFF  }
0xac: {  	[dreg:$0x1] =	wrdreg $0xFFFFFFFF  }
0xad: {  	[dreg:$0x0] =	wrdreg $0x60  }
0xae: {  	[dreg:$0x2] =	wrdreg s24  }
0xaf: {  	[dreg:$0x3] =	wrdreg s2  }
0xb0: {  	[dreg:$0x4] =	wrdreg $0x9  }
0xb1: {  	_ =	task.clear_ibuf [dreg:s7], $0x5FFFF;
	_ =	strace $0x90000046  }
0xb2: {  	s29 =	simm.s32 $0x9;
	_ =	strace $0x80000048  }
0xb3: {  	_ =	swait.ge [sflag:s29], $0x1  }
0xb4: {  	[sflag:s29] =	ssyncadd.s32 $0xFFFFFFFF  }
0xb5: {  	_ =	strace $0x90000048  }
0xb6: {  	_ =	sfence  }
0xb7: {  	s30 =	sld [smem:$0x0];
	_ =	sdelay $0x2  }
0xb8: {  	s31 =	sshll.u32 s1, $0xD;
	s1 =	sshrl.u32 s1, $0x2  }
0xb9: {  	s3 =	sand.u32 $0x4000, s31;
	s1 =	sadd.s32 s1, s30  }
0xba: {  	s0 =	sor.u32 s3, s0;
	s1 =	sshll.u32 s1, $0x11  }
0xbb: {  	s0 =	sor.u32 s1, s0  }
0xbc: {  	s0 =	sadd.s32 $0x8F2B, s0  }
0xbd: {  	[sflag:s0] =	ssyncadd.remote.s32 $0x1  }
0xbe: {  	_ =	sfence.sel $0xFFFF  }
0xbf: {  	[dreg:$0x0] =	wrdreg $0xFFFFFFFF;
	(pc) =	sbr.abs _section_cstart, $3  }
0xc0: {  	[dreg:$0x1] =	wrdreg $0xFFFFFFFF  }
0xc1: {  	_ =	task.clear_ibuf [dreg:s7], $0x2FFFF;
	_ =	strace $0x9FFFFFFF  }
0xc2: {  	(tm) =	ssettm $0x7FFFFFFF  }
0xc3: {  	_ =	shalt  }
tec
execute0_lowered:
.L_overlay_start_1:
0x0: {  	(tag) =	ssettag $0x1  }
0x1: {  	s4 =	rddreg [dreg:$0x0]  }
0x2: {  	s5 =	rddreg [dreg:$0x1]  }
0x3: {  	s0 =	rddreg [dreg:$0x2]  }
0x4: {  	s2 =	simm.s32 $0x0;
	s1 =	stileid.u32;
	s7 =	srdreg.scid  }
0x5: {  	s11 =	simm.s32 $0xC000;
	s12 =	simm.s32 $0x10000;
	s13 =	simm.s32 $0x1  }
0x6: {  	s14 =	simm.s32 $0x2;
	s15 =	simm.s32 $0x0;
	[smem:$0x7FF] =	sst s2  }
0x7: {  	s6 =	sshll.u32 s1, $0x13;
	s3 =	sadd.s32 $0x1C00, s4;
	s31 =	sand.u32 $0x1, s7  }
0x8: {  	s8 =	sshll.u32 s1, $0xF;
	_ =	strace $0x80000047;
	s4 =	sadd.s32 s6, s4  }
0x9: {  	s7 =	ssub.s32 $0x2, s31;
	s9 =	sshll.u32 s31, $0xE;
	s6 =	sshll.u32 s31, $0x12  }
0xa: {  	s10 =	sshrl.u32 s7, $0x1;
	s8 =	sor.u32 s9, s8;
	s6 =	sadd.s32 s6, s4  }
0xb: {  	s9 =	simm.s32 $0x4000;
	s7 =	ssub.s32 s7, s10;
	s8 =	sshrl.u32 s8, $0x3  }
0xc: {  	s6 =	sadd.s32 $0x21C00, s6;
	s10 =	simm.s32 $0x8000;
	s4 =	sadd.s32 s5, s8  }
0xd: {  	s5 =	smax.u32 s7, $0x1;
	s7 =	simm.s32 $0x3;
	s8 =	simm.s32 $0x80  }
.LBB2_1:
0xe: {  	[tilespmem:s2], [sflag:$0x3] =	stream.linear.gather [hbm4b:s4+s2], $0x4000, $0x38;
	[tilespmem:$0x14000] =	vst v63  }
0xf: {  	_ =	swait.ge [sflag:s7], $0x4000  }
0x10: {  	[sflag:s7] =	ssyncset.done $0x0  }
0x11: {  	[sflag:s7] =	ssyncadd.s32 $0xFFFFC000  }
0x12: {  	[tilespmem:s9], [sflag:$0x1] =	stream.indirect.gather [hbm4b:s3+s8], $0x80, s2, s8, $0xb8;
	[tilespmem:$0x14000] =	vst v63  }
0x13: {  	s16 =	simm.s32 $0x80  }
0x14: {  	[tilespmem:s10], [sflag:$0x1] =	stream.indirect.gather [hbm4b:s3+s8], $0x80, s16, s8, $0xb8;
	[tilespmem:$0x14000] =	vst v63  }
0x15: {  	s28 =	simm.s32 $0x100  }
0x16: {  	[tilespmem:s11], [sflag:$0x1] =	stream.indirect.gather [hbm4b:s3+s8], $0x80, s28, s8, $0xb8;
	[tilespmem:$0x14000] =	vst v63  }
0x17: {  	s29 =	simm.s32 $0x180  }
0x18: {  	[tilespmem:s12], [sflag:$0x1] =	stream.indirect.gather [hbm4b:s3+s8], $0x80, s29, s8, $0xb8;
	[tilespmem:$0x14000] =	vst v63  }
0x19: {  	_ =	swait.ge [sflag:s13], $0x4000  }
0x1a: {  	[sflag:s13] =	ssyncset.done $0x0  }
0x1b: {  	s30 =	sadd.s32 $0x0, s6;
	[sflag:s13] =	ssyncadd.s32 $0xFFFFC000  }
0x1c: {  	[hbm4b:s30+s2] =	stream.linear.scatter [tilespmem:s9], [sflag:$0x2], $0x4000, $0x38;
	[tilespmem:$0x14000] =	vst v63  }
0x1d: {  	_ =	swait.ge [sflag:s13], $0x4000  }
0x1e: {  	[sflag:s13] =	ssyncset.done $0x0  }
0x1f: {  	s17 =	sadd.s32 $0x800, s30;
	[sflag:s13] =	ssyncadd.s32 $0xFFFFC000  }
0x20: {  	[hbm4b:s17+s2] =	stream.linear.scatter [tilespmem:s10], [sflag:$0x2], $0x4000, $0x38;
	[tilespmem:$0x14000] =	vst v63  }
0x21: {  	_ =	swait.ge [sflag:s13], $0x4000  }
0x22: {  	[sflag:s13] =	ssyncset.done $0x0  }
0x23: {  	s31 =	sadd.s32 $0x1000, s30;
	[sflag:s13] =	ssyncadd.s32 $0xFFFFC000  }
0x24: {  	[hbm4b:s31+s2] =	stream.linear.scatter [tilespmem:s11], [sflag:$0x2], $0x4000, $0x38;
	[tilespmem:$0x14000] =	vst v63  }
0x25: {  	_ =	swait.ge [sflag:s13], $0x4000  }
0x26: {  	[sflag:s13] =	ssyncset.done $0x0  }
0x27: {  	s16 =	sadd.s32 $0x1800, s30;
	[sflag:s13] =	ssyncadd.s32 $0xFFFFC000  }
0x28: {  	[hbm4b:s16+s2] =	stream.linear.scatter [tilespmem:s12], [sflag:$0x2], $0x4000, $0x38;
	[tilespmem:$0x14000] =	vst v63  }
0x29: {  	_ =	swait.ge [sflag:s14], $0x4000  }
0x2a: {  	[sflag:s14] =	ssyncset.done $0x0  }
0x2b: {  	[sflag:s14] =	ssyncadd.s32 $0xFFFFC000  }
0x2c: {  	_ =	swait.ge [sflag:s14], $0x4000  }
0x2d: {  	[sflag:s14] =	ssyncset.done $0x0  }
0x2e: {  	[sflag:s14] =	ssyncadd.s32 $0xFFFFC000  }
0x2f: {  	_ =	swait.ge [sflag:s14], $0x4000  }
0x30: {  	[sflag:s14] =	ssyncset.done $0x0  }
0x31: {  	[sflag:s14] =	ssyncadd.s32 $0xFFFFC000  }
0x32: {  	_ =	swait.ge [sflag:s14], $0x4000  }
0x33: {  	s17 =	simm.s32 $0x0;
	s16 =	simm.s32 $0x2000;
	[sflag:s14] =	ssyncset.done $0x0  }
.LBB2_2:
0x34: {  	p0 =	sne.s32 s16, $0x3E000;
	[sflag:s14] =	ssyncadd.s32 $0xFFFFC000;
	s17 =	sadd.s32 $0x200, s17  }
0x35: {  	[tilespmem:s9], [sflag:$0x1] =	stream.indirect.gather [hbm4b:s3+s8], $0x80, s17, s8, $0xb8;
	[tilespmem:$0x14000] =	vst v63  }
0x36: {  	s19 =	smov.u32 s16;
	s16 =	sadd.s32 $0x2000, s16;
	s18 =	sadd.s32 $0x80, s17  }
0x37: {  	[tilespmem:s10], [sflag:$0x1] =	stream.indirect.gather [hbm4b:s3+s8], $0x80, s18, s8, $0xb8;
	[tilespmem:$0x14000] =	vst v63  }
0x38: {  	s18 =	sadd.s32 $0x100, s17  }
0x39: {  	[tilespmem:s11], [sflag:$0x1] =	stream.indirect.gather [hbm4b:s3+s8], $0x80, s18, s8, $0xb8;
	[tilespmem:$0x14000] =	vst v63  }
0x3a: {  	s18 =	sadd.s32 $0x180, s17  }
0x3b: {  	[tilespmem:s12], [sflag:$0x1] =	stream.indirect.gather [hbm4b:s3+s8], $0x80, s18, s8, $0xb8;
	[tilespmem:$0x14000] =	vst v63  }
0x3c: {  	_ =	swait.ge [sflag:s13], $0x4000  }
0x3d: {  	[sflag:s13] =	ssyncset.done $0x0  }
0x3e: {  	s18 =	sadd.s32 s19, s6;
	[sflag:s13] =	ssyncadd.s32 $0xFFFFC000  }
0x3f: {  	[hbm4b:s18+s2] =	stream.linear.scatter [tilespmem:s9], [sflag:$0x2], $0x4000, $0x38;
	[tilespmem:$0x14000] =	vst v63  }
0x40: {  	_ =	swait.ge [sflag:s13], $0x4000  }
0x41: {  	[sflag:s13] =	ssyncset.done $0x0  }
0x42: {  	s19 =	sadd.s32 $0x800, s18;
	[sflag:s13] =	ssyncadd.s32 $0xFFFFC000  }
0x43: {  	[hbm4b:s19+s2] =	stream.linear.scatter [tilespmem:s10], [sflag:$0x2], $0x4000, $0x38;
	[tilespmem:$0x14000] =	vst v63  }
0x44: {  	_ =	swait.ge [sflag:s13], $0x4000  }
0x45: {  	[sflag:s13] =	ssyncset.done $0x0  }
0x46: {  	s19 =	sadd.s32 $0x1000, s18;
	[sflag:s13] =	ssyncadd.s32 $0xFFFFC000  }
0x47: {  	[hbm4b:s19+s2] =	stream.linear.scatter [tilespmem:s11], [sflag:$0x2], $0x4000, $0x38;
	[tilespmem:$0x14000] =	vst v63  }
0x48: {  	_ =	swait.ge [sflag:s13], $0x4000  }
0x49: {  	[sflag:s13] =	ssyncset.done $0x0  }
0x4a: {  	s18 =	sadd.s32 $0x1800, s18;
	[sflag:s13] =	ssyncadd.s32 $0xFFFFC000  }
0x4b: {  	[hbm4b:s18+s2] =	stream.linear.scatter [tilespmem:s12], [sflag:$0x2], $0x4000, $0x38;
	[tilespmem:$0x14000] =	vst v63  }
0x4c: {  	_ =	swait.ge [sflag:s14], $0x4000  }
0x4d: {  	[sflag:s14] =	ssyncset.done $0x0  }
0x4e: {  	[sflag:s14] =	ssyncadd.s32 $0xFFFFC000  }
0x4f: {  	_ =	swait.ge [sflag:s14], $0x4000  }
0x50: {  	[sflag:s14] =	ssyncset.done $0x0  }
0x51: {  	[sflag:s14] =	ssyncadd.s32 $0xFFFFC000  }
.Ltmp0:
0x52: {  	_ =	swait.ge [sflag:s14], $0x4000;
	(pc) =	sbr.rel @p0 .LBB2_2-.Ltmp0, $4  }
0x53: {  	[sflag:s14] =	ssyncset.done $0x0  }
0x54: {  	[sflag:s14] =	ssyncadd.s32 $0xFFFFC000  }
0x55: {  	_ =	swait.ge [sflag:s14], $0x4000  }
0x56: {  	[sflag:s14] =	ssyncset.done $0x0  }
0x57: {  	s15 =	sadd.s32 $0x1, s15  }
0x58: {  	p0 =	sne.s32 s15, s5  }
.Ltmp1:
0x59: {  	_ = 	snop;
	(pc) =	sbr.rel @p0 .LBB2_1-.Ltmp1, $2  }
0x5a: {  	_ =	sdelay $0x2  }
0x5b: {  	[sflag:s14] =	ssyncadd.s32 $0xFFFFC000  }
0x5c: {  	_ =	sfence.sel $0x180000  }
0x5d: {  	[bflag:$0x0] =	sbarrier.arrive $0xFFFF  }
0x5e: {  	p0 =	sne.s32 s1, $0x0;
	_ =	strace $0x90000047  }
0x5f: {  	s0 =	sadd.s32 @!p0 $0x100000, s0;
	[bflag:$0x2] =	sbarrier.arrive $0xFFFF  }
0x60: {  	[sflag:s0] =	ssyncadd.tile.s32 @!p0 $0x1;
	_ =	shalt  }
.Lfunc_end2:
_tile_overlayer_lowered:
.L_overlay_start_2:
0x61: {  	(tag) =	ssettag $0x2  }
0x62: {  	s0 =	rddreg [dreg:$0x0];
	s2 =	stileid.u32  }
0x63: {  	s1 =	rddreg [dreg:$0x1];
	p0 =	sne.s32 s2, $0x0  }
0x64: {  	s3 =	rddreg [dreg:$0x2];
	[bflag:$0x3] =	sbarrier.arrive $0xFFFF;
	s2 =	simm.s32 @!p0 $0x1C03  }
0x65: {  	[timem:s3], [sflag:s2] =	dma.local @!p0 [hbm:s0], s1  }
0x66: {  	s0 =	simm.s32 @!p0 $0x3  }
0x67: {  	_ =	swait.ge @!p0 [sflag:s0], s1  }
0x68: {  	s1 =	ssub.s32 @!p0 $0x0, s1;
	[sflag:s0] =	ssyncset.done @!p0 $0x0  }
0x69: {  	[sflag:s0] =	ssyncadd.s32 @!p0 s1  }
0x6a: {  	[bflag:$0x3] =	sbarrier.arrive $0xFFFF  }
0x6b: {  	_ =	shalt  }

</sc_bundles>
